<compile_context>
chip_gen: v7x
topology: tpu7x:2x2x1
jax: 0.10.2.dev20260603
libtpu: 0.0.44.dev20260713+nightly
codegen_flags: <defaults>
</compile_context>

<pallas_src>
import functools

import jax
import jax.numpy as jnp
from jax import lax
from jax.experimental import pallas as pl
from jax.experimental.pallas import tpu as pltpu
from jax.experimental.pallas import tpu_sc as plsc


@functools.partial(jax.jit, static_argnums=(2, 3, 4, 5))
def _gather_rows(table, idx, B, P, S, D):
    info = plsc.get_sparse_core_info()
    NC, NS, L = info.num_cores, info.num_subcores, info.num_lanes
    NW = NC * NS
    N = B * P
    assert N % NW == 0
    b_per_w = N // NW
    assert b_per_w % L == 0 and (b_per_w * D * 4) <= 500_000

    mesh = plsc.VectorSubcoreMesh(core_axis_name="c", subcore_axis_name="s")

    @functools.partial(
        pl.kernel,
        mesh=mesh,
        out_type=jax.ShapeDtypeStruct((B, P, D), jnp.float32),
        scratch_types=[
            pltpu.VMEM((b_per_w,), jnp.int32),
            pltpu.VMEM((b_per_w, D), jnp.float32),
            pltpu.SemaphoreType.DMA,
        ],
    )
    def k(table_hbm, idx_hbm, out_hbm, idx_v, rows_v, sem):
        wid = lax.axis_index("s") * NC + lax.axis_index("c")
        base = wid * b_per_w
        b = base // P
        col = base - b * P
        pltpu.sync_copy(idx_hbm.at[b, pl.ds(col, b_per_w)], idx_v)
        off = b * S
        for i in range(b_per_w // L):
            idx_v[pl.ds(i * L, L)] = idx_v[pl.ds(i * L, L)] + off
        pltpu.async_copy(table_hbm.at[idx_v], rows_v, sem).wait()
        pltpu.sync_copy(rows_v, out_hbm.at[b, pl.ds(col, b_per_w)])

    return k(table, idx)


def kernel(sequence_tensor, masked_lm_positions):
    B, S, D = sequence_tensor.shape
    _, P = masked_lm_positions.shape
    table = sequence_tensor.reshape(B * S, D)
    idx = masked_lm_positions.astype(jnp.int32)
    return _gather_rows(table, idx, B, P, S, D)

# --- scband reference (transcript-rebuilt; emitter-appended) ---
"""Pipeline reference for scband-batch-gather-11458972745985 (READ-ONLY COPY).

The authoritative reference and input builder live on the scoring server;
editing this copy changes nothing except your own understanding.
"""

import jax, jax.numpy as jnp
import numpy as np


def setup_inputs(seed: int = 0) -> dict:
    key = jax.random.key(seed)
    k1, k2 = jax.random.split(key)
    sequence_tensor = jax.random.normal(k1, (4, 4096, 1024), dtype=jnp.float32)
    masked_lm_positions = jax.random.randint(k2, (4, 512), 0, 4096, dtype=jnp.int64)
    return {"sequence_tensor": sequence_tensor, "masked_lm_positions": masked_lm_positions}


def reference(sequence_tensor, masked_lm_positions):
    # tf.batch_gather: gather along axis 1 independently per batch element.
    idx = masked_lm_positions.astype(jnp.int32)
    out = jnp.take_along_axis(sequence_tensor, idx[:, :, None], axis=1)
    return out

if __name__ == "__main__":
    import jax
    _d = setup_inputs()
    print(jax.jit(kernel)(*tuple(_d.values())))

</pallas_src>

<mosaic_0001>
#map = affine_map<(d0, d1) -> (0, 0)>
#map1 = affine_map<(d0, d1) -> (0, 0, 0)>
module attributes {stable_mosaic.version = 14 : i64} {
  func.func @k(%arg0: i32, %arg1: i32, %arg2: memref<16384x1024xf32, #tpu.memory_space<hbm>>, %arg3: memref<4x512xi32, #tpu.memory_space<hbm>>, %arg4: memref<4x512x1024xf32, #tpu.memory_space<hbm>>, %arg5: memref<64xi32, #tpu.memory_space<vmem>>, %arg6: memref<64x1024xf32, #tpu.memory_space<vmem>>, %arg7: memref<!tpu.dma_semaphore, #tpu.memory_space<semaphore_mem>>) attributes {dimension_semantics = [#tpu.dimension_semantics<core_parallel>, #tpu.dimension_semantics<subcore_parallel>], iteration_bounds = array<i64: 2, 16>, scalar_prefetch = 0 : i64, scratch_operands = 3 : i64, tpu.core_type = #tpu.core_type<sc_vector_subcore>, window_params = [{transform_indices = #map}, {transform_indices = #map}, {transform_indices = #map1}]} {
    %mul3A = arith.constant 2 : i32
    %mul3A_0 = arith.muli %arg1, %mul3A : i32
    %add3A = arith.addi %mul3A_0, %arg0 : i32
    %mul3A_1 = arith.constant 64 : i32
    %mul3A_2 = arith.muli %add3A, %mul3A_1 : i32
    %jit3A = arith.constant 512 : i32
    %div3A = arith.divsi %mul3A_2, %jit3A : i32
    %sign3A = arith.constant 0 : i32
    %sign3A_3 = arith.cmpi sgt, %mul3A_2, %sign3A : i32
    %sign3A_4 = arith.extui %sign3A_3 : i1 to i32
    %sign3A_5 = arith.constant 0 : i32
    %sign3A_6 = arith.cmpi slt, %mul3A_2, %sign3A_5 : i32
    %sign3A_7 = arith.extui %sign3A_6 : i1 to i32
    %sign3A_8 = arith.subi %sign3A_4, %sign3A_7 : i32
    %sign3A_9 = arith.constant 0 : i32
    %sign3A_10 = arith.cmpi sgt, %jit3A, %sign3A_9 : i32
    %sign3A_11 = arith.extui %sign3A_10 : i1 to i32
    %sign3A_12 = arith.constant 0 : i32
    %sign3A_13 = arith.cmpi slt, %jit3A, %sign3A_12 : i32
    %sign3A_14 = arith.extui %sign3A_13 : i1 to i32
    %sign3A_15 = arith.subi %sign3A_11, %sign3A_14 : i32
    %ne3A = arith.cmpi ne, %sign3A_8, %sign3A_15 : i32
    %rem3A = arith.remsi %mul3A_2, %jit3A : i32
    %ne3A_16 = arith.constant 0 : i32
    %ne3A_17 = arith.cmpi ne, %rem3A, %ne3A_16 : i32
    %and3A = arith.andi %ne3A, %ne3A_17 : i1
    %sub3A = arith.constant 1 : i32
    %sub3A_18 = arith.subi %div3A, %sub3A : i32
    %select_n3A = arith.select %and3A, %sub3A_18, %div3A : i32
    %mul3A_19 = arith.constant 512 : i32
    %mul3A_20 = arith.muli %select_n3A, %mul3A_19 : i32
    %sub3A_21 = arith.subi %mul3A_2, %mul3A_20 : i32
    "tpu.region"() ({
      %run_scoped3A = tpu.sem_alloc : memref<!tpu.dma_semaphore, #tpu.memory_space<semaphore_mem>>
      %dma_start3A_62 = tpu.memref_slice %arg3[%select_n3A, %sub3A_21] : memref<4x512xi32, #tpu.memory_space<hbm>> -> memref<1x64xi32, #tpu.memory_space<hbm>>
      %dma_start3A_63 = tpu.memref_squeeze %dma_start3A_62 : memref<1x64xi32, #tpu.memory_space<hbm>> -> memref<64xi32, #tpu.memory_space<hbm>>
      %dma_start3A_64 = tpu.memref_slice %arg3[%select_n3A, %sub3A_21] : memref<4x512xi32, #tpu.memory_space<hbm>> -> memref<1x64xi32, #tpu.memory_space<hbm>>
      %dma_start3A_65 = tpu.memref_squeeze %dma_start3A_64 : memref<1x64xi32, #tpu.memory_space<hbm>> -> memref<64xi32, #tpu.memory_space<hbm>>
      tpu.enqueue_dma source(%dma_start3A_65 : memref<64xi32, #tpu.memory_space<hbm>>) target(%arg5 : memref<64xi32, #tpu.memory_space<vmem>>) target_semaphore(%run_scoped3A : memref<!tpu.dma_semaphore, #tpu.memory_space<semaphore_mem>>)
      %dma_wait3A_66 = tpu.memref_slice %arg3[%select_n3A, %sub3A_21] : memref<4x512xi32, #tpu.memory_space<hbm>> -> memref<1x64xi32, #tpu.memory_space<hbm>>
      %dma_wait3A_67 = tpu.memref_squeeze %dma_wait3A_66 : memref<1x64xi32, #tpu.memory_space<hbm>> -> memref<64xi32, #tpu.memory_space<hbm>>
      %dma_wait3A_68 = tpu.memref_slice %arg3[%select_n3A, %sub3A_21] : memref<4x512xi32, #tpu.memory_space<hbm>> -> memref<1x64xi32, #tpu.memory_space<hbm>>
      %dma_wait3A_69 = tpu.memref_squeeze %dma_wait3A_68 : memref<1x64xi32, #tpu.memory_space<hbm>> -> memref<64xi32, #tpu.memory_space<hbm>>
      tpu.wait_dma2 semaphore(%run_scoped3A : memref<!tpu.dma_semaphore, #tpu.memory_space<semaphore_mem>>) src(%dma_wait3A_69 : memref<64xi32, #tpu.memory_space<hbm>>) dst(%arg5 : memref<64xi32, #tpu.memory_space<vmem>>)
      tpu.yield
    }) : () -> ()
    %mul3A_22 = arith.constant 4096 : i32
    %mul3A_23 = arith.muli %select_n3A, %mul3A_22 : i32
    %get3A = arith.constant 0 : index
    %get3A_24 = tpu.vector_load %arg5[%get3A] {strides = array<i32>} : memref<64xi32, #tpu.memory_space<vmem>>, vector<16xi32>,
    %get3A_25 = vector.shape_cast %get3A_24 : vector<16xi32> to vector<16xi32>
    %add3A_26 = vector.broadcast %mul3A_23 : i32 to vector<16xi32>
    %add3A_27 = arith.addi %get3A_25, %add3A_26 : vector<16xi32>
    %swap3A = arith.constant 0 : index
    %swap3A_28 = tpu.vector_load %arg5[%swap3A] {strides = array<i32>} : memref<64xi32, #tpu.memory_space<vmem>>, vector<16xi32>,
    %swap3A_29 = vector.shape_cast %swap3A_28 : vector<16xi32> to vector<16xi32>
    %swap3A_30 = vector.shape_cast %add3A_27 : vector<16xi32> to vector<16xi32>
    tpu.vector_store %arg5[%swap3A], %swap3A_30 {strides = array<i32>} : memref<64xi32, #tpu.memory_space<vmem>>, vector<16xi32>,
    %get3A_31 = arith.constant 16 : index
    %get3A_32 = tpu.vector_load %arg5[%get3A_31] {strides = array<i32>} : memref<64xi32, #tpu.memory_space<vmem>>, vector<16xi32>,
    %get3A_33 = vector.shape_cast %get3A_32 : vector<16xi32> to vector<16xi32>
    %add3A_34 = vector.broadcast %mul3A_23 : i32 to vector<16xi32>
    %add3A_35 = arith.addi %get3A_33, %add3A_34 : vector<16xi32>
    %swap3A_36 = arith.constant 16 : index
    %swap3A_37 = tpu.vector_load %arg5[%swap3A_36] {strides = array<i32>} : memref<64xi32, #tpu.memory_space<vmem>>, vector<16xi32>,
    %swap3A_38 = vector.shape_cast %swap3A_37 : vector<16xi32> to vector<16xi32>
    %swap3A_39 = vector.shape_cast %add3A_35 : vector<16xi32> to vector<16xi32>
    tpu.vector_store %arg5[%swap3A_36], %swap3A_39 {strides = array<i32>} : memref<64xi32, #tpu.memory_space<vmem>>, vector<16xi32>,
    %get3A_40 = arith.constant 32 : index
    %get3A_41 = tpu.vector_load %arg5[%get3A_40] {strides = array<i32>} : memref<64xi32, #tpu.memory_space<vmem>>, vector<16xi32>,
    %get3A_42 = vector.shape_cast %get3A_41 : vector<16xi32> to vector<16xi32>
    %add3A_43 = vector.broadcast %mul3A_23 : i32 to vector<16xi32>
    %add3A_44 = arith.addi %get3A_42, %add3A_43 : vector<16xi32>
    %swap3A_45 = arith.constant 32 : index
    %swap3A_46 = tpu.vector_load %arg5[%swap3A_45] {strides = array<i32>} : memref<64xi32, #tpu.memory_space<vmem>>, vector<16xi32>,
    %swap3A_47 = vector.shape_cast %swap3A_46 : vector<16xi32> to vector<16xi32>
    %swap3A_48 = vector.shape_cast %add3A_44 : vector<16xi32> to vector<16xi32>
    tpu.vector_store %arg5[%swap3A_45], %swap3A_48 {strides = array<i32>} : memref<64xi32, #tpu.memory_space<vmem>>, vector<16xi32>,
    %get3A_49 = arith.constant 48 : index
    %get3A_50 = tpu.vector_load %arg5[%get3A_49] {strides = array<i32>} : memref<64xi32, #tpu.memory_space<vmem>>, vector<16xi32>,
    %get3A_51 = vector.shape_cast %get3A_50 : vector<16xi32> to vector<16xi32>
    %add3A_52 = vector.broadcast %mul3A_23 : i32 to vector<16xi32>
    %add3A_53 = arith.addi %get3A_51, %add3A_52 : vector<16xi32>
    %swap3A_54 = arith.constant 48 : index
    %swap3A_55 = tpu.vector_load %arg5[%swap3A_54] {strides = array<i32>} : memref<64xi32, #tpu.memory_space<vmem>>, vector<16xi32>,
    %swap3A_56 = vector.shape_cast %swap3A_55 : vector<16xi32> to vector<16xi32>
    %swap3A_57 = vector.shape_cast %add3A_53 : vector<16xi32> to vector<16xi32>
    tpu.vector_store %arg5[%swap3A_54], %swap3A_57 {strides = array<i32>} : memref<64xi32, #tpu.memory_space<vmem>>, vector<16xi32>,
    %dma_start3A = arith.constant 0 : i32
    %dma_start3A_58 = arith.constant 0 : i32
    %dma_start3A_59 = tpu.memref_slice %arg2[%dma_start3A, %dma_start3A_58] : memref<16384x1024xf32, #tpu.memory_space<hbm>> -> memref<16384x1024xf32, #tpu.memory_space<hbm>>
    tpu.enqueue_indirect_dma source(%dma_start3A_59 : memref<16384x1024xf32, #tpu.memory_space<hbm>>) target(%arg6 : memref<64x1024xf32, #tpu.memory_space<vmem>>) offsets(%arg5 : memref<64xi32, #tpu.memory_space<vmem>>) semaphore(%arg7 : memref<!tpu.dma_semaphore, #tpu.memory_space<semaphore_mem>>)
    %dma_wait3A = arith.constant 0 : i32
    %dma_wait3A_60 = arith.constant 0 : i32
    %dma_wait3A_61 = tpu.memref_slice %arg2[%dma_wait3A, %dma_wait3A_60] : memref<16384x1024xf32, #tpu.memory_space<hbm>> -> memref<16384x1024xf32, #tpu.memory_space<hbm>>
    tpu.wait_indirect_dma semaphore(%arg7 : memref<!tpu.dma_semaphore, #tpu.memory_space<semaphore_mem>>) src(%dma_wait3A_61 : memref<16384x1024xf32, #tpu.memory_space<hbm>>) dst(%arg6 : memref<64x1024xf32, #tpu.memory_space<vmem>>)
    "tpu.region"() ({
      %run_scoped3A = tpu.sem_alloc : memref<!tpu.dma_semaphore, #tpu.memory_space<semaphore_mem>>
      %dma_start3A_62 = arith.constant 0 : i32
      %dma_start3A_63 = tpu.memref_slice %arg4[%select_n3A, %sub3A_21, %dma_start3A_62] : memref<4x512x1024xf32, #tpu.memory_space<hbm>> -> memref<1x64x1024xf32, #tpu.memory_space<hbm>>
      %dma_start3A_64 = tpu.memref_squeeze %dma_start3A_63 : memref<1x64x1024xf32, #tpu.memory_space<hbm>> -> memref<64x1024xf32, #tpu.memory_space<hbm>>
      %dma_start3A_65 = arith.constant 0 : i32
      %dma_start3A_66 = tpu.memref_slice %arg4[%select_n3A, %sub3A_21, %dma_start3A_65] : memref<4x512x1024xf32, #tpu.memory_space<hbm>> -> memref<1x64x1024xf32, #tpu.memory_space<hbm>>
      %dma_start3A_67 = tpu.memref_squeeze %dma_start3A_66 : memref<1x64x1024xf32, #tpu.memory_space<hbm>> -> memref<64x1024xf32, #tpu.memory_space<hbm>>
      tpu.enqueue_dma source(%arg6 : memref<64x1024xf32, #tpu.memory_space<vmem>>) target(%dma_start3A_67 : memref<64x1024xf32, #tpu.memory_space<hbm>>) target_semaphore(%run_scoped3A : memref<!tpu.dma_semaphore, #tpu.memory_space<semaphore_mem>>)
      %dma_wait3A_68 = arith.constant 0 : i32
      %dma_wait3A_69 = tpu.memref_slice %arg4[%select_n3A, %sub3A_21, %dma_wait3A_68] : memref<4x512x1024xf32, #tpu.memory_space<hbm>> -> memref<1x64x1024xf32, #tpu.memory_space<hbm>>
      %dma_wait3A_70 = tpu.memref_squeeze %dma_wait3A_69 : memref<1x64x1024xf32, #tpu.memory_space<hbm>> -> memref<64x1024xf32, #tpu.memory_space<hbm>>
      %dma_wait3A_71 = arith.constant 0 : i32
      %dma_wait3A_72 = tpu.memref_slice %arg4[%select_n3A, %sub3A_21, %dma_wait3A_71] : memref<4x512x1024xf32, #tpu.memory_space<hbm>> -> memref<1x64x1024xf32, #tpu.memory_space<hbm>>
      %dma_wait3A_73 = tpu.memref_squeeze %dma_wait3A_72 : memref<1x64x1024xf32, #tpu.memory_space<hbm>> -> memref<64x1024xf32, #tpu.memory_space<hbm>>
      tpu.wait_dma2 semaphore(%run_scoped3A : memref<!tpu.dma_semaphore, #tpu.memory_space<semaphore_mem>>) src(%arg6 : memref<64x1024xf32, #tpu.memory_space<vmem>>) dst(%dma_wait3A_73 : memref<64x1024xf32, #tpu.memory_space<hbm>>)
      tpu.yield
    }) : () -> ()
    return
  }
}

</mosaic_0001>

<sc_bundles>
// kernel: _gather_rows.3.cloned.1.call-start
scs
__scs_entry_jumppad:
0x0: {  	(pc) =	sbr.rel $0x88, $3  }
0x1: {  	(tag) =	ssettag $0x0;
	lr =	simm.s32 $0x1  }
0x2: {  	[smem:$0x3F9F] =	sst lr;
	_ =	strace $0xD0000000  }
0x3: {  	_ = 	snop  }
0x4: {  	_ = 	snop  }
0x5: {  	_ = 	snop  }
0x6: {  	_ = 	snop  }
0x7: {  	_ = 	snop  }
__scs_overlays_trampoline_lowered:
0x8: {  	[smem:$0x3FAE] =	sst s0  }
0x9: {  	[smem:$0x3FAF] =	sst s1  }
0xa: {  	[smem:$0x3FB0] =	sst s2  }
0xb: {  	[smem:$0x3FB1] =	sst s3  }
0xc: {  	[smem:$0x3FB2] =	sst s4  }
0xd: {  	[smem:$0x3FB3] =	sst s5  }
0xe: {  	[smem:$0x3FB4] =	sst s6  }
0xf: {  	[smem:$0x3FB5] =	sst s7  }
0x10: {  	[smem:$0x3FB6] =	sst s8  }
0x11: {  	[smem:$0x3FB7] =	sst s9;
	s0 =	simm.s32 @!p0 $0x0  }
0x12: {  	s1 =	sld [smem:$0x3F9D];
	s0 =	simm.s32 @p0 $0x1  }
0x13: {  	[smem:$0x3FB8] =	sst s0;
	s0 =	simm.s32 @!p1 $0x0  }
0x14: {  	s2 =	sld [smem:$0x3F9C];
	s0 =	simm.s32 @p1 $0x1  }
0x15: {  	[smem:$0x3FB9] =	sst s0;
	s0 =	simm.s32 @!p2 $0x0  }
0x16: {  	s3 =	sld [smem:$0x3FDB];
	s0 =	simm.s32 @p2 $0x1  }
0x17: {  	s4 =	simm.s32 $0x1BF5;
	[smem:$0x3FBB] =	sst s0  }
0x18: {  	s0 =	sld [smem:$0x3F9E];
	_ =	swait.ge [sflag:s4], $0x0  }
0x19: {  	s7 =	sld [smem:$0x3F9F]  }
0x1a: {  	s8 =	sadd.s32 $0xFFFFE003, lr  }
0x1b: {  	s9 =	sadd.s32 $0xFFFFFEF7, lr;
	s5 =	simm.s32 $0xFFFFFFFF;
	p2 =	slt.u32 s8, $0xFFFFF086  }
0x1c: {  	p1 =	slt.u32 s9, $0xF7A;
	s5 =	simm.s32 @!p2 $0x0  }
0x1d: {  	s5 =	simm.s32 @p1 $0x1;
	p0 =	seq.s32 s7, s2  }
0x1e: {  	s7 =	smul.u32 @!p0 $0xF7A, s2;
	p2 =	seq.s32 @!p0 s5, $0x0  }
0x1f: {  	s9 =	smul.u32 $0xF7A, s1;
	s8 =	simm.s32 @!p0 $0x1BF5;
	p2 =	por !p2, p0  }
0x20: {  	[sflag:s8] =	ssyncset.s32 @!p0 $0xFFFFF086;
	s6 =	sadd.s32 @!p0 s3, s7;
	s7 =	simm.s32 @!p0 $0x108  }
0x21: {  	s3 =	sadd.s32 s3, s9;
	s6 =	sadd.s32 @!p0 $0x88, s6;
	s7 =	simm.s32 @p2 $0x1082  }
0x22: {  	[simem:s7], [sflag:s8] =	dma.local @!p0 [hbm:s6], $0xF7A  }
0x23: {  	s9 =	sor.u32 $0xD0000000, s2;
	s6 =	simm.s32 $0x108;
	_ =	swait.ge @!p0 [sflag:s8], $0x0  }
0x24: {  	s3 =	sadd.s32 $0x88, s3;
	s6 =	simm.s32 @!p1 $0x1082;
	[sflag:s4] =	ssyncset.s32 $0xFFFFF086  }
0x25: {  	[simem:s6], [sflag:s4] =	dma.local [hbm:s3], $0xF7A  }
0x26: {  	[smem:$0x3F9F] =	sst s1;
	(tag) =	ssettag s2;
	_ =	strace s9  }
0x27: {  	s1 =	sld [smem:$0x3FAF]  }
0x28: {  	s2 =	sld [smem:$0x3FB0]  }
0x29: {  	s4 =	sld [smem:$0x3FB2]  }
0x2a: {  	p0 =	seq.s32 s5, $0x0;
	s5 =	sld [smem:$0x3FB3]  }
0x2b: {  	s6 =	sld [smem:$0x3FB4]  }
0x2c: {  	s7 =	sld [smem:$0x3FB5]  }
0x2d: {  	s3 =	simm.s32 $0x108;
	s8 =	sld [smem:$0x3FB6]  }
0x2e: {  	s3 =	simm.s32 @!p0 $0x1082;
	s9 =	sld [smem:$0x3FB7]  }
0x2f: {  	lr =	sadd.s32 s0, s3;
	s0 =	sld [smem:$0x3FAE]  }
0x30: {  	s3 =	sld [smem:$0x3FB1]  }
0x31: {  	[smem:$0x3FBA] =	sst s10  }
0x32: {  	s10 =	sld [smem:$0x3FB8];
	_ =	sdelay $0x3  }
0x33: {  	p0 =	seq.s32 s10, $0x1;
	s10 =	sld [smem:$0x3FBA];
	_ =	sdelay $0x3  }
0x34: {  	[smem:$0x3FBA] =	sst s10  }
0x35: {  	s10 =	sld [smem:$0x3FB9];
	_ =	sdelay $0x3  }
0x36: {  	p1 =	seq.s32 s10, $0x1;
	s10 =	sld [smem:$0x3FBA];
	_ =	sdelay $0x3  }
0x37: {  	[smem:$0x3FBA] =	sst s10  }
0x38: {  	s10 =	sld [smem:$0x3FBB]  }
0x39: {  	_ = 	snop;
	(pc) =	sbr.ind lr, $3  }
0x3a: {  	_ = 	snop  }
0x3b: {  	_ = 	snop  }
0x3c: {  	p2 =	seq.s32 s10, $0x1;
	s10 =	sld [smem:$0x3FBA]  }
0x3d: {  	_ =	shalt  }
0x3e: {  	_ =	shalt  }
0x3f: {  	_ =	shalt  }
0x40: {  	_ =	shalt  }
0x41: {  	_ =	shalt  }
0x42: {  	_ =	shalt  }
0x43: {  	_ =	shalt  }
0x44: {  	_ =	shalt  }
0x45: {  	_ =	shalt  }
0x46: {  	_ =	shalt  }
0x47: {  	_ =	shalt  }
0x48: {  	_ =	shalt  }
0x49: {  	_ =	shalt  }
0x4a: {  	_ =	shalt  }
0x4b: {  	_ =	shalt  }
0x4c: {  	_ =	shalt  }
0x4d: {  	_ =	shalt  }
0x4e: {  	_ =	shalt  }
0x4f: {  	_ =	shalt  }
0x50: {  	_ =	shalt  }
0x51: {  	_ =	shalt  }
0x52: {  	_ =	shalt  }
0x53: {  	_ =	shalt  }
0x54: {  	_ =	shalt  }
0x55: {  	_ =	shalt  }
0x56: {  	_ =	shalt  }
0x57: {  	_ =	shalt  }
0x58: {  	_ =	shalt  }
0x59: {  	_ =	shalt  }
0x5a: {  	_ =	shalt  }
0x5b: {  	_ =	shalt  }
0x5c: {  	_ =	shalt  }
0x5d: {  	_ =	shalt  }
0x5e: {  	_ =	shalt  }
0x5f: {  	_ =	shalt  }
0x60: {  	_ =	shalt  }
0x61: {  	_ =	shalt  }
0x62: {  	_ =	shalt  }
0x63: {  	_ =	shalt  }
0x64: {  	_ =	shalt  }
0x65: {  	_ =	shalt  }
0x66: {  	_ =	shalt  }
0x67: {  	_ =	shalt  }
0x68: {  	_ =	shalt  }
0x69: {  	_ =	shalt  }
0x6a: {  	_ =	shalt  }
0x6b: {  	_ =	shalt  }
0x6c: {  	_ =	shalt  }
0x6d: {  	_ =	shalt  }
0x6e: {  	_ =	shalt  }
0x6f: {  	_ =	shalt  }
0x70: {  	_ =	shalt  }
0x71: {  	_ =	shalt  }
0x72: {  	_ =	shalt  }
0x73: {  	_ =	shalt  }
0x74: {  	_ =	shalt  }
0x75: {  	_ =	shalt  }
0x76: {  	_ =	shalt  }
0x77: {  	_ =	shalt  }
0x78: {  	_ =	shalt  }
0x79: {  	_ =	shalt  }
0x7a: {  	_ =	shalt  }
0x7b: {  	_ =	shalt  }
0x7c: {  	_ =	shalt  }
0x7d: {  	_ =	shalt  }
0x7e: {  	_ =	shalt  }
0x7f: {  	_ =	shalt  }
0x80: {  	_ =	shalt  }
0x81: {  	_ =	shalt  }
0x82: {  	_ =	shalt  }
0x83: {  	_ =	shalt  }
0x84: {  	_ =	shalt  }
0x85: {  	_ =	shalt  }
0x86: {  	_ =	shalt  }
0x87: {  	_ =	shalt  }
.Lfunc_end0:
.L_simem_size_0:
called_computation_lowered:
.L_overlay_start_0:
0x88: {  	s2 =	sld [smem:$0x3FD9]  }
0x89: {  	s3 =	sld [smem:$0x3FFE];
	_ =	sdelay $0x1  }
0x8a: {  	s1 =	srdreg.scid  }
0x8b: {  	s0 =	sand.u32 $0x1, s1  }
0x8c: {  	s18 =	sshll.u32 s0, $0xA;
	s2 =	sadd.s32 s3, s2  }
0x8d: {  	s2 =	sadd.s32 s2, s18  }
0x8e: {  	[smem:$0x3FC6] =	sst s2  }
0x8f: {  	_ = 	snop  }
0x90: {  	s2 =	sld [smem:$0x3FC9]  }
0x91: {  	s19 =	sld [smem:$0x3FC8]  }
0x92: {  	s4 =	sld [smem:$0x3FD0];
	(tm) =	ssettm $0x1  }
0x93: {  	s5 =	sld [smem:$0x3FFB];
	_ =	sdelay $0x3  }
0x94: {  	_ =	strace s5  }
0x95: {  	s5 =	sld [smem:$0x3FFC];
	_ =	sdelay $0x3  }
0x96: {  	_ =	strace s5  }
0x97: {  	s5 =	sld [smem:$0x3FFD];
	_ =	sdelay $0x3  }
0x98: {  	_ =	strace s5  }
0x99: {  	_ =	strace $0x8FFFFFFF  }
0x9a: {  	s20 =	sld [smem:$0x3FDB];
	_ =	sdelay $0x1  }
0x9b: {  	s6 =	simm.s32 $_scs_section_size  }
0x9c: {  	s7 =	simm.s32 $_size__tile_overlayer_lowered;
	s8 =	simm.s32 $_tile_overlayer_lowered  }
0x9d: {  	s23 =	simm.s32 $0x1BFF;
	s22 =	sshll.u32 s8, $0x1;
	s5 =	sadd.s32 s6, s20  }
0x9e: {  	s9 =	simm.s32 $0x0;
	s21 =	sshll.u32 s7, $0x1;
	s7 =	sadd.s32 s22, s5  }
0x9f: {  	[timem:s9], [sflag:s23] =	dma.local [hbm:s7], s21  }
0xa0: {  	_ =	swait.ge [sflag:s23], s21  }
0xa1: {  	s6 =	ssub.s32 $0x0, s21;
	[sflag:s23] =	ssyncset.done $0x0  }
0xa2: {  	[sflag:s23] =	ssyncadd.s32 s6;
	_ =	sdelay $0x1  }
0xa3: {  	s24 =	simm.s32 $0x1B8B  }
0xa4: {  	_ =	swait.ge [sflag:s24], $0x1  }
0xa5: {  	[sflag:s24] =	ssyncset.done $0x0  }
0xa6: {  	s25 =	simm.s32 $0x1B8E;
	[sflag:s24] =	ssyncadd.s32 $0xFFFFFFFF  }
0xa7: {  	s26 =	simm.s32 $execute0_lowered;
	[smem:$0x3FD2] =	sst s25  }
0xa8: {  	s6 =	sshll.u32 s26, $0x1;
	_ =	strace $0x80000046;
	[dreg:$0x1] =	wrdreg $0xFFFFFFFF  }
0xa9: {  	s28 =	simm.s32 $_size_execute0_lowered;
	s5 =	sadd.s32 s5, s6;
	[dreg:$0x0] =	wrdreg $0x0  }
0xaa: {  	s6 =	sshll.u32 s28, $0x1;
	[dreg:$0x2] =	wrdreg s5  }
0xab: {  	[dreg:$0x3] =	wrdreg s6  }
0xac: {  	[dreg:$0x4] =	wrdreg $0xC0  }
0xad: {  	_ =	task [dreg:s9], $0x5FFFF  }
0xae: {  	[dreg:$0x1] =	wrdreg $0xFFFFFFFF  }
0xaf: {  	[dreg:$0x0] =	wrdreg $0x60  }
0xb0: {  	[dreg:$0x2] =	wrdreg s2  }
0xb1: {  	[dreg:$0x3] =	wrdreg s19  }
0xb2: {  	[dreg:$0x4] =	wrdreg s4  }
0xb3: {  	[dreg:$0x5] =	wrdreg $0x9  }
0xb4: {  	_ =	task.clear_ibuf [dreg:s9], $0x6FFFF;
	_ =	strace $0x90000046  }
0xb5: {  	s29 =	simm.s32 $0x9;
	_ =	strace $0x80000048  }
0xb6: {  	_ =	swait.ge [sflag:s29], $0x1  }
0xb7: {  	[sflag:s29] =	ssyncadd.s32 $0xFFFFFFFF  }
0xb8: {  	_ =	strace $0x90000048  }
0xb9: {  	_ =	sfence  }
0xba: {  	s30 =	sld [smem:$0x0];
	_ =	sdelay $0x2  }
0xbb: {  	s31 =	sshll.u32 s1, $0xD;
	s1 =	sshrl.u32 s1, $0x2  }
0xbc: {  	s3 =	sand.u32 $0x4000, s31;
	s1 =	sadd.s32 s1, s30  }
0xbd: {  	s0 =	sor.u32 s3, s0;
	s1 =	sshll.u32 s1, $0x11  }
0xbe: {  	s0 =	sor.u32 s1, s0  }
0xbf: {  	s0 =	sadd.s32 $0x8F2B, s0  }
0xc0: {  	[sflag:s0] =	ssyncadd.remote.s32 $0x1  }
0xc1: {  	_ =	sfence.sel $0xFFFF  }
0xc2: {  	[dreg:$0x0] =	wrdreg $0xFFFFFFFF;
	(pc) =	sbr.abs _section_cstart, $3  }
0xc3: {  	[dreg:$0x1] =	wrdreg $0xFFFFFFFF  }
0xc4: {  	_ =	task.clear_ibuf [dreg:s9], $0x2FFFF;
	_ =	strace $0x9FFFFFFF  }
0xc5: {  	(tm) =	ssettm $0x7FFFFFFF  }
tec
execute0_lowered:
.L_overlay_start_1:
0x0: {  	(tag) =	ssettag $0x1  }
0x1: {  	s1 =	rddreg [dreg:$0x0]  }
0x2: {  	s0 =	rddreg [dreg:$0x1]  }
0x3: {  	s4 =	rddreg [dreg:$0x2]  }
0x4: {  	s3 =	simm.s32 $0x0;
	s2 =	stileid.u32;
	s5 =	srdreg.scid  }
0x5: {  	s14 =	simm.s32 $0x880;
	s16 =	simm.s32 $0x1080;
	s17 =	simm.s32 $0x1880  }
0x6: {  	s19 =	simm.s32 $0x2080;
	s20 =	simm.s32 $0x2880;
	s21 =	simm.s32 $0x3080  }
0x7: {  	s22 =	simm.s32 $0x3880;
	s23 =	simm.s32 $0x4080;
	[smem:$0x7FF] =	sst s3  }
0x8: {  	s24 =	simm.s32 $0x4880;
	_ =	strace $0x80000047;
	[dreg:$0x6] =	wrdreg s14  }
0x9: {  	s25 =	simm.s32 $0x5080;
	s28 =	simm.s32 $0xE080;
	[dreg:$0x7] =	wrdreg s16  }
0xa: {  	s29 =	simm.s32 $0xE880;
	s30 =	simm.s32 $0xF080;
	[dreg:$0x8] =	wrdreg s17  }
0xb: {  	s31 =	simm.s32 $0xF880;
	s6 =	sshll.u32 s2, $0x9;
	[dreg:$0x9] =	wrdreg s19  }
0xc: {  	s7 =	sshrl.u32 s2, $0x2;
	s5 =	sand.u32 $0x1, s5;
	[dreg:$0xa] =	wrdreg s20  }
0xd: {  	s9 =	sshll.u32 s2, $0x7;
	s6 =	sand.u32 $0x600, s6;
	[dreg:$0xb] =	wrdreg s21  }
0xe: {  	s8 =	sshll.u32 s7, $0x7;
	s10 =	sshll.u32 s5, $0x6;
	[dreg:$0xc] =	wrdreg s22  }
0xf: {  	s9 =	sand.u32 $0x180, s9;
	s11 =	sshll.u32 s7, $0x10;
	[dreg:$0xd] =	wrdreg s23  }
0x10: {  	s15 =	ssub.s32 $0x2, s5;
	s26 =	sshll.u32 s7, $0xC;
	[dreg:$0xe] =	wrdreg s24  }
0x11: {  	[dreg:$0xf] =	wrdreg s25;
	s14 =	simm.s32 $0x7880;
	s16 =	simm.s32 $0x8880  }
0x12: {  	s17 =	simm.s32 $0x9080;
	s19 =	simm.s32 $0xA080;
	s20 =	simm.s32 $0xA880  }
0x13: {  	s21 =	simm.s32 $0xB080;
	s22 =	simm.s32 $0xB880;
	s23 =	simm.s32 $0xC080  }
0x14: {  	s24 =	simm.s32 $0xC880;
	s25 =	simm.s32 $0xD080;
	s6 =	sor.u32 s8, s6  }
0x15: {  	s8 =	sor.u32 s10, s9;
	s4 =	sadd.s32 s4, s11;
	s5 =	sshrl.u32 s15, $0x1  }
0x16: {  	s9 =	simm.s32 $0x80;
	s11 =	simm.s32 $0x6080;
	v0 =	vmov s26;
	s26 =	simm.s32 $0xD880  }
0x17: {  	s6 =	sor.u32 s10, s6;
	s12 =	sshll.u32 s8, $0x7;
	s18 =	ssub.s32 s15, s5  }
0x18: {  	s5 =	sadd.s32 $0x200, s1;
	s8 =	simm.s32 $0x2;
	s15 =	simm.s32 $0x8080  }
0x19: {  	s6 =	sshrl.u32 s6, $0x3;
	s13 =	sadd.s32 s12, s4;
	s4 =	sadd.s32 $0x100, s1  }
0x1a: {  	v3 =	vlaneseq.u32;
	s7 =	smax.u32 s18, $0x1;
	s12 =	simm.s32 $0x6880;
	s18 =	simm.s32 $0x9880  }
0x1b: {  	vm0 =	vmmov $0xffff;
	v2 =	vshrl.u32 v3, $0x3;
	s0 =	sadd.s32 s0, s6;
	[dreg:$0x5] =	wrdreg s13;
	s6 =	sadd.s32 $0x300, s1  }
0x1c: {  	v1 =	vand.u32 $0x7, v3;
	v3 =	vor.u32 $0x8, v3;
	v2 =	vmul.u32 $0x8, v2;
	s13 =	simm.s32 $0x7080;
	[dreg:$0x4] =	wrdreg s0;
	s0 =	simm.s32 $0x1  }
.LBB2_1:
0x1d: {  	s2 =	rddreg [dreg:$0x4]  }
0x1e: {  	[tilespmem:s3], [sflag:$0x2] =	stream.linear.gather [hbm4b:s2+s3], $0x40, $0x38;
	[tilespmem:$0x10080] =	vst v63  }
0x1f: {  	_ =	swait.ge [sflag:s8], $0x40  }
0x20: {  	[sflag:s8] =	ssyncset.done $0x0  }
0x21: {  	[sflag:s8] =	ssyncadd.s32 $0xFFFFFFC0  }
0x22: {  	v4 =	vld [tilespmem:$0x0];
	_ =	sdelay $0x4  }
0x23: {  	v5 =	vadd.s32 v0, v4  }
0x24: {  	v6 =	vshll.u32 v5, $0x3  }
0x25: {  	v7 =	vld [tilespmem:$0x10];
	v4 =	vand.u32 $0x7, v4;
	v6 =	vand.u32 $0xFFFFFFC0, v6  }
0x26: {  	v8 =	vld [tilespmem:$0x20];
	v4 =	vor.u32 v4, v6  }
0x27: {  	v63 =	vld [tilespmem:$0x30];
	v9 =	vperm.xlane v4, v1;
	_ =	sdelay $0x1  }
0x28: {  	v9 =	vadd.s32 v2, v9  }
0x29: {  	[tilespmem:$0x0] =	vst v5;
	v5 =	vadd.s32 v0, v7  }
0x2a: {  	[tilespmem:$0x10] =	vst v5;
	v5 =	vadd.s32 v0, v8  }
0x2b: {  	[tilespmem:$0x20] =	vst v5;
	v5 =	vadd.s32 v0, v63  }
0x2c: {  	[tilespmem:$0x30] =	vst v5  }
0x2d: {  	[tilespmem:s9], [sflag:$0x1] =	stream.indirect_vreg.gather [hbm4b:s1+s3], $0x80, v9, vm0, $0xb8;
	[tilespmem:$0x10080] =	vst v63  }
0x2e: {  	s2 =	rddreg [dreg:$0x6];
	v4 =	vperm.xlane v4, v3  }
0x2f: {  	[tilespmem:s2], [sflag:$0x1] =	stream.indirect_vreg.gather [hbm4b:s4+s3], $0x80, v9, vm0, $0xb8;
	[tilespmem:$0x10080] =	vst v63  }
0x30: {  	s10 =	rddreg [dreg:$0x7];
	v4 =	vadd.s32 v2, v4  }
0x31: {  	[tilespmem:s10], [sflag:$0x1] =	stream.indirect_vreg.gather [hbm4b:s5+s3], $0x80, v9, vm0, $0xb8;
	[tilespmem:$0x10080] =	vst v63  }
0x32: {  	s2 =	rddreg [dreg:$0x8]  }
0x33: {  	[tilespmem:s2], [sflag:$0x1] =	stream.indirect_vreg.gather [hbm4b:s6+s3], $0x80, v9, vm0, $0xb8;
	[tilespmem:$0x10080] =	vst v63  }
0x34: {  	s10 =	rddreg [dreg:$0x9]  }
0x35: {  	[tilespmem:s10], [sflag:$0x1] =	stream.indirect_vreg.gather [hbm4b:s1+s3], $0x80, v4, vm0, $0xb8;
	[tilespmem:$0x10080] =	vst v63  }
0x36: {  	s2 =	rddreg [dreg:$0xa]  }
0x37: {  	[tilespmem:s2], [sflag:$0x1] =	stream.indirect_vreg.gather [hbm4b:s4+s3], $0x80, v4, vm0, $0xb8;
	[tilespmem:$0x10080] =	vst v63  }
0x38: {  	s10 =	rddreg [dreg:$0xb]  }
0x39: {  	[tilespmem:s10], [sflag:$0x1] =	stream.indirect_vreg.gather [hbm4b:s5+s3], $0x80, v4, vm0, $0xb8;
	[tilespmem:$0x10080] =	vst v63  }
0x3a: {  	s2 =	rddreg [dreg:$0xc]  }
0x3b: {  	[tilespmem:s2], [sflag:$0x1] =	stream.indirect_vreg.gather [hbm4b:s6+s3], $0x80, v4, vm0, $0xb8;
	[tilespmem:$0x10080] =	vst v63  }
0x3c: {  	v4 =	vld [tilespmem:$0x10];
	_ =	sdelay $0x4  }
0x3d: {  	v5 =	vshll.u32 v4, $0x3  }
0x3e: {  	v4 =	vand.u32 $0x7, v4;
	v5 =	vand.u32 $0xFFFFFFC0, v5  }
0x3f: {  	v4 =	vor.u32 v4, v5  }
0x40: {  	v5 =	vperm.xlane v4, v1;
	_ =	sdelay $0x1  }
0x41: {  	v5 =	vadd.s32 v2, v5;
	_ =	sdelay $0x3  }
0x42: {  	s2 =	rddreg [dreg:$0xd]  }
0x43: {  	[tilespmem:s2], [sflag:$0x1] =	stream.indirect_vreg.gather [hbm4b:s1+s3], $0x80, v5, vm0, $0xb8;
	[tilespmem:$0x10080] =	vst v63  }
0x44: {  	s10 =	rddreg [dreg:$0xe];
	v4 =	vperm.xlane v4, v3  }
0x45: {  	[tilespmem:s10], [sflag:$0x1] =	stream.indirect_vreg.gather [hbm4b:s4+s3], $0x80, v5, vm0, $0xb8;
	[tilespmem:$0x10080] =	vst v63  }
0x46: {  	v4 =	vadd.s32 v2, v4;
	s2 =	rddreg [dreg:$0xf]  }
0x47: {  	[tilespmem:s2], [sflag:$0x1] =	stream.indirect_vreg.gather [hbm4b:s5+s3], $0x80, v5, vm0, $0xb8;
	[tilespmem:$0x10080] =	vst v63  }
0x48: {  	s10 =	simm.s32 $0x5880  }
0x49: {  	[tilespmem:s10], [sflag:$0x1] =	stream.indirect_vreg.gather [hbm4b:s6+s3], $0x80, v5, vm0, $0xb8;
	[tilespmem:$0x10080] =	vst v63  }
0x4a: {  	_ = 	snop  }
0x4b: {  	[tilespmem:s11], [sflag:$0x1] =	stream.indirect_vreg.gather [hbm4b:s1+s3], $0x80, v4, vm0, $0xb8;
	[tilespmem:$0x10080] =	vst v63  }
0x4c: {  	_ = 	snop  }
0x4d: {  	[tilespmem:s12], [sflag:$0x1] =	stream.indirect_vreg.gather [hbm4b:s4+s3], $0x80, v4, vm0, $0xb8;
	[tilespmem:$0x10080] =	vst v63  }
0x4e: {  	_ = 	snop  }
0x4f: {  	[tilespmem:s13], [sflag:$0x1] =	stream.indirect_vreg.gather [hbm4b:s5+s3], $0x80, v4, vm0, $0xb8;
	[tilespmem:$0x10080] =	vst v63  }
0x50: {  	_ = 	snop  }
0x51: {  	[tilespmem:s14], [sflag:$0x1] =	stream.indirect_vreg.gather [hbm4b:s6+s3], $0x80, v4, vm0, $0xb8;
	[tilespmem:$0x10080] =	vst v63  }
0x52: {  	v4 =	vld [tilespmem:$0x20];
	_ =	sdelay $0x4  }
0x53: {  	v5 =	vshll.u32 v4, $0x3  }
0x54: {  	v4 =	vand.u32 $0x7, v4;
	v5 =	vand.u32 $0xFFFFFFC0, v5  }
0x55: {  	v4 =	vor.u32 v4, v5  }
0x56: {  	v5 =	vperm.xlane v4, v1;
	_ =	sdelay $0x1  }
0x57: {  	v5 =	vadd.s32 v2, v5;
	_ =	sdelay $0x4  }
0x58: {  	[tilespmem:s15], [sflag:$0x1] =	stream.indirect_vreg.gather [hbm4b:s1+s3], $0x80, v5, vm0, $0xb8;
	[tilespmem:$0x10080] =	vst v63  }
0x59: {  	v4 =	vperm.xlane v4, v3  }
0x5a: {  	[tilespmem:s16], [sflag:$0x1] =	stream.indirect_vreg.gather [hbm4b:s4+s3], $0x80, v5, vm0, $0xb8;
	[tilespmem:$0x10080] =	vst v63  }
0x5b: {  	v4 =	vadd.s32 v2, v4  }
0x5c: {  	[tilespmem:s17], [sflag:$0x1] =	stream.indirect_vreg.gather [hbm4b:s5+s3], $0x80, v5, vm0, $0xb8;
	[tilespmem:$0x10080] =	vst v63  }
0x5d: {  	_ = 	snop  }
0x5e: {  	[tilespmem:s18], [sflag:$0x1] =	stream.indirect_vreg.gather [hbm4b:s6+s3], $0x80, v5, vm0, $0xb8;
	[tilespmem:$0x10080] =	vst v63  }
0x5f: {  	_ = 	snop  }
0x60: {  	[tilespmem:s19], [sflag:$0x1] =	stream.indirect_vreg.gather [hbm4b:s1+s3], $0x80, v4, vm0, $0xb8;
	[tilespmem:$0x10080] =	vst v63  }
0x61: {  	_ = 	snop  }
0x62: {  	[tilespmem:s20], [sflag:$0x1] =	stream.indirect_vreg.gather [hbm4b:s4+s3], $0x80, v4, vm0, $0xb8;
	[tilespmem:$0x10080] =	vst v63  }
0x63: {  	_ = 	snop  }
0x64: {  	[tilespmem:s21], [sflag:$0x1] =	stream.indirect_vreg.gather [hbm4b:s5+s3], $0x80, v4, vm0, $0xb8;
	[tilespmem:$0x10080] =	vst v63  }
0x65: {  	_ = 	snop  }
0x66: {  	[tilespmem:s22], [sflag:$0x1] =	stream.indirect_vreg.gather [hbm4b:s6+s3], $0x80, v4, vm0, $0xb8;
	[tilespmem:$0x10080] =	vst v63  }
0x67: {  	v4 =	vld [tilespmem:$0x30];
	_ =	sdelay $0x4  }
0x68: {  	v5 =	vshll.u32 v4, $0x3  }
0x69: {  	v4 =	vand.u32 $0x7, v4;
	v5 =	vand.u32 $0xFFFFFFC0, v5  }
0x6a: {  	v4 =	vor.u32 v4, v5  }
0x6b: {  	v5 =	vperm.xlane v4, v1;
	_ =	sdelay $0x1  }
0x6c: {  	v5 =	vadd.s32 v2, v5;
	_ =	sdelay $0x4  }
0x6d: {  	[tilespmem:s23], [sflag:$0x1] =	stream.indirect_vreg.gather [hbm4b:s1+s3], $0x80, v5, vm0, $0xb8;
	[tilespmem:$0x10080] =	vst v63  }
0x6e: {  	v4 =	vperm.xlane v4, v3  }
0x6f: {  	[tilespmem:s24], [sflag:$0x1] =	stream.indirect_vreg.gather [hbm4b:s4+s3], $0x80, v5, vm0, $0xb8;
	[tilespmem:$0x10080] =	vst v63  }
0x70: {  	v4 =	vadd.s32 v2, v4  }
0x71: {  	[tilespmem:s25], [sflag:$0x1] =	stream.indirect_vreg.gather [hbm4b:s5+s3], $0x80, v5, vm0, $0xb8;
	[tilespmem:$0x10080] =	vst v63  }
0x72: {  	_ = 	snop  }
0x73: {  	[tilespmem:s26], [sflag:$0x1] =	stream.indirect_vreg.gather [hbm4b:s6+s3], $0x80, v5, vm0, $0xb8;
	[tilespmem:$0x10080] =	vst v63  }
0x74: {  	_ = 	snop  }
0x75: {  	[tilespmem:s28], [sflag:$0x1] =	stream.indirect_vreg.gather [hbm4b:s1+s3], $0x80, v4, vm0, $0xb8;
	[tilespmem:$0x10080] =	vst v63  }
0x76: {  	_ = 	snop  }
0x77: {  	[tilespmem:s29], [sflag:$0x1] =	stream.indirect_vreg.gather [hbm4b:s4+s3], $0x80, v4, vm0, $0xb8;
	[tilespmem:$0x10080] =	vst v63  }
0x78: {  	_ = 	snop  }
0x79: {  	[tilespmem:s30], [sflag:$0x1] =	stream.indirect_vreg.gather [hbm4b:s5+s3], $0x80, v4, vm0, $0xb8;
	[tilespmem:$0x10080] =	vst v63  }
0x7a: {  	_ = 	snop  }
0x7b: {  	[tilespmem:s31], [sflag:$0x1] =	stream.indirect_vreg.gather [hbm4b:s6+s3], $0x80, v4, vm0, $0xb8;
	[tilespmem:$0x10080] =	vst v63  }
0x7c: {  	_ =	swait.ge [sflag:s0], $0x10000  }
0x7d: {  	p0 =	sne.s32 s7, $0x1;
	[sflag:s0] =	ssyncset.done $0x0  }
.Ltmp0:
0x7e: {  	s10 =	rddreg [dreg:$0x5];
	[sflag:s0] =	ssyncadd.s32 $0xFFFF0000;
	(pc) =	sbr.rel @p0 .LBB2_1-.Ltmp0, $4  }
0x7f: {  	[hbm4b:s10+s3] =	stream.linear.scatter [tilespmem:s9], [sflag:$0x2], $0x10000, $0x38;
	[tilespmem:$0x10080] =	vst v63  }
0x80: {  	_ =	swait.ge [sflag:s8], $0x10000  }
0x81: {  	[sflag:s8] =	ssyncset.done $0x0  }
0x82: {  	s7 =	sadd.s32 $0xFFFFFFFF, s7;
	[sflag:s8] =	ssyncadd.s32 $0xFFFF0000  }
0x83: {  	_ =	sfence.sel $0x180000  }
0x84: {  	[bflag:$0x0] =	sbarrier.arrive $0xFFFF  }
0x85: {  	_ =	strace $0x90000047  }
0x86: {  	s0 =	stileid.u32;
	[bflag:$0x2] =	sbarrier.arrive $0xFFFF  }
0x87: {  	p0 =	sne.s32 s0, $0x0;
	s0 =	rddreg [dreg:$0x3]  }
0x88: {  	s0 =	sadd.s32 @!p0 $0x100000, s0  }
0x89: {  	[sflag:s0] =	ssyncadd.tile.s32 @!p0 $0x1;
	_ =	shalt  }
.Lfunc_end2:
_tile_overlayer_lowered:
.L_overlay_start_2:
0x8a: {  	(tag) =	ssettag $0x2  }
0x8b: {  	s0 =	rddreg [dreg:$0x0];
	s2 =	stileid.u32  }
0x8c: {  	s1 =	rddreg [dreg:$0x1];
	p0 =	sne.s32 s2, $0x0  }
0x8d: {  	s3 =	rddreg [dreg:$0x2];
	[bflag:$0x3] =	sbarrier.arrive $0xFFFF;
	s2 =	simm.s32 @!p0 $0x1C02  }
0x8e: {  	[timem:s3], [sflag:s2] =	dma.local @!p0 [hbm:s0], s1  }
0x8f: {  	s0 =	simm.s32 @!p0 $0x2  }
0x90: {  	_ =	swait.ge @!p0 [sflag:s0], s1  }
0x91: {  	s1 =	ssub.s32 @!p0 $0x0, s1;
	[sflag:s0] =	ssyncset.done @!p0 $0x0  }
0x92: {  	[sflag:s0] =	ssyncadd.s32 @!p0 s1  }
0x93: {  	[bflag:$0x3] =	sbarrier.arrive $0xFFFF  }
0x94: {  	_ =	shalt  }

</sc_bundles>
